<compile_context>
chip_gen: v7x
topology: tpu7x:2x2x1
jax: 0.10.2.dev20260603
libtpu: 0.0.44.dev20260713+nightly
codegen_flags: <defaults>
</compile_context>

<pallas_src>
import math

import jax
import jax.numpy as jnp
import numpy as np
from jax import lax
from jax.experimental import pallas as pl
from jax.experimental.pallas import tpu as pltpu
from jax.experimental.pallas import tpu_sc as plsc

S = 4096
NUM_BUCKETS = 32
MAX_DISTANCE = 4096
NW = 32
W = 6144
GW = 8320
LANES = 16
NSTRIPE = 16


def _bucket_table() -> np.ndarray:
    g = np.arange(GW, dtype=np.int64)
    rows = []
    for c in range(8):
        d = np.clip(g + c - (S - 1), -(S - 1), S - 1)
        a = np.abs(d)
        safe = np.maximum(a, 1).astype(np.float32)
        log_term = 8.0 + np.ceil(
            np.log(safe / 8.0) / math.log(MAX_DISTANCE / 8.0) * 8.0
        )
        large = np.minimum(np.float32(15.0), log_term).astype(np.int32)
        b = np.where(a < 8, a, large).astype(np.int32)
        rows.append(np.where(d < 0, b + 16, b).astype(np.int32))
    return np.stack(rows)


_BT = _bucket_table()


NCHUNK = 376
QCOL = 1024


def _rpe_body(bt_hbm, w_hbm, out_hbm, *scratch):
    bt_v = scratch[0:8]
    b_v, w_v = scratch[8], scratch[9]
    sem_in, sem_out = scratch[10], scratch[11]
    cid = lax.axis_index("c")
    sid = lax.axis_index("s")
    wid = sid * 2 + cid
    a = wid % 16
    h = wid // 16
    gb = (S - 8) - 8 * a - 128 * (NSTRIPE - 1) - 2048 * h

    stage = [pltpu.async_copy(w_hbm, w_v, sem_in)] + [
        pltpu.async_copy(bt_hbm.at[pl.ds(c * GW + gb, W)], bt_v[c], sem_in)
        for c in range(8)
    ]
    for cp in stage:
        cp.wait()

    def gather_chunk(k, carry):
        for c in range(8):
            idx = bt_v[c][pl.ds(k * LANES, LANES)]
            b_v[7 - c, pl.ds(k * LANES, LANES)] = plsc.load_gather(w_v, [idx])
        return carry

    def fire(p):
        j = p % NSTRIPE
        q = p // NSTRIPE
        return pltpu.async_copy(
            b_v.at[:, pl.ds(128 * j + QCOL * q, QCOL)],
            out_hbm.at[
                pl.ds(8 * a + 2048 * h + 128 * (NSTRIPE - 1 - j), 8),
                pl.ds(QCOL * q, QCOL),
            ],
            sem_out,
        )

    nslots = NCHUNK // 8
    npieces = NSTRIPE * (S // QCOL)

    def slot_body(p, carry):
        def slot_chunks(u, c2):
            return gather_chunk(8 * p + u, c2)

        lax.fori_loop(0, 8, slot_chunks, 0)

        @pl.when(p >= 7)
        def _():
            fire(p - 7)

        return carry

    lax.fori_loop(0, nslots, slot_body, 0)

    def late_fire(i, carry):
        fire(nslots - 7 + i)
        return carry

    lax.fori_loop(0, npieces - (nslots - 7), late_fire, 0)

    def drain(i, carry):
        pltpu.make_async_copy(
            b_v.at[:, pl.ds(0, QCOL)],
            out_hbm.at[pl.ds(0, 8), pl.ds(0, QCOL)],
            sem_out,
        ).wait()
        return carry

    lax.fori_loop(0, npieces, drain, 0)


def kernel(seq_len, weight):
    del seq_len
    w = weight.reshape(NUM_BUCKETS).astype(jnp.float32)
    run = pl.kernel(
        _rpe_body,
        out_type=jax.ShapeDtypeStruct((S, S), jnp.float32),
        mesh=plsc.VectorSubcoreMesh(core_axis_name="c", subcore_axis_name="s"),
        compiler_params=pltpu.CompilerParams(needs_layout_passes=False),
        scratch_types=(
            [pltpu.VMEM((W,), jnp.int32) for _ in range(8)]
            + [pltpu.VMEM((8, W), jnp.float32),
               pltpu.VMEM((NUM_BUCKETS,), jnp.float32),
               pltpu.SemaphoreType.DMA,
               pltpu.SemaphoreType.DMA]
        ),
    )
    return run(jnp.asarray(_BT).reshape(-1), w)

# --- scband reference (transcript-rebuilt; emitter-appended) ---
"""Pipeline reference for scband-t5-rpe-35905926595079 (READ-ONLY COPY).

The authoritative reference and input builder live on the scoring server;
editing this copy changes nothing except your own understanding.
"""

import jax, jax.numpy as jnp
import numpy as np
import math

NUM_BUCKETS = 32
MAX_DISTANCE = 4096


def setup_inputs(seed: int = 0) -> dict:
    key = jax.random.key(seed)
    weight = jax.random.normal(key, (NUM_BUCKETS, 1), dtype=jnp.float32)
    return {"seq_len": 4096, "weight": weight}


def _compute_bucket(relative_position):
    abs_pos = jnp.abs(relative_position)
    safe_abs = jnp.maximum(abs_pos, 1)  # avoid log(0); branch unused when abs_pos < 8
    log_term = 8.0 + jnp.ceil(
        jnp.log(safe_abs.astype(jnp.float32) / 8.0) / math.log(MAX_DISTANCE / 8.0) * 8.0
    )
    large_bucket = jnp.minimum(jnp.float32(15.0), log_term).astype(jnp.int32)
    bucket = jnp.where(abs_pos < 8, abs_pos, large_bucket)
    bucket = jnp.where(relative_position < 0, bucket + 16, bucket)
    return bucket


def reference(seq_len, weight):
    static_len = 4096
    offset = jnp.asarray(seq_len, dtype=jnp.int32) - jnp.int32(static_len)
    position_ids = jnp.arange(static_len, dtype=jnp.int32) + offset
    relative_positions = position_ids[None, :] - position_ids[:, None]
    buckets = _compute_bucket(relative_positions)
    out = jnp.take(weight, buckets, axis=0)  # [S, S, 1]
    return jnp.squeeze(out, axis=-1)  # [S, S]

if __name__ == "__main__":
    import jax
    _d = setup_inputs()
    print(jax.jit(kernel)(*tuple(_d.values())))

</pallas_src>

<mosaic_0001>
#map = affine_map<(d0, d1) -> (0)>
#map1 = affine_map<(d0, d1) -> (0, 0)>
module attributes {stable_mosaic.version = 14 : i64} {
  func.func @_rpe_body(%arg0: i32, %arg1: i32, %arg2: memref<66560xi32, #tpu.memory_space<hbm>>, %arg3: memref<32xf32, #tpu.memory_space<hbm>>, %arg4: memref<4096x4096xf32, #tpu.memory_space<hbm>>, %arg5: memref<6144xi32, #tpu.memory_space<vmem>>, %arg6: memref<6144xi32, #tpu.memory_space<vmem>>, %arg7: memref<6144xi32, #tpu.memory_space<vmem>>, %arg8: memref<6144xi32, #tpu.memory_space<vmem>>, %arg9: memref<6144xi32, #tpu.memory_space<vmem>>, %arg10: memref<6144xi32, #tpu.memory_space<vmem>>, %arg11: memref<6144xi32, #tpu.memory_space<vmem>>, %arg12: memref<6144xi32, #tpu.memory_space<vmem>>, %arg13: memref<8x6144xf32, #tpu.memory_space<vmem>>, %arg14: memref<32xf32, #tpu.memory_space<vmem>>, %arg15: memref<!tpu.dma_semaphore, #tpu.memory_space<semaphore_mem>>, %arg16: memref<!tpu.dma_semaphore, #tpu.memory_space<semaphore_mem>>) attributes {dimension_semantics = [#tpu.dimension_semantics<core_parallel>, #tpu.dimension_semantics<subcore_parallel>], iteration_bounds = array<i64: 2, 16>, scalar_prefetch = 0 : i64, scratch_operands = 12 : i64, tpu.core_type = #tpu.core_type<sc_vector_subcore>, window_params = [{transform_indices = #map}, {transform_indices = #map}, {transform_indices = #map1}]} {
    %mul3A = arith.constant 2 : i32
    %mul3A_0 = arith.muli %arg1, %mul3A : i32
    %add3A = arith.addi %mul3A_0, %arg0 : i32
    %jit3A = arith.constant 16 : i32
    %eq3A = arith.constant 0 : i32
    %eq3A_1 = arith.cmpi eq, %jit3A, %eq3A : i32
    %jit3A_2 = arith.constant 1 : i32
    %select_n3A = arith.select %eq3A_1, %jit3A_2, %jit3A : i32
    %rem3A = arith.remsi %add3A, %select_n3A : i32
    %ne3A = arith.constant 0 : i32
    %ne3A_3 = arith.cmpi ne, %rem3A, %ne3A : i32
    %lt3A = arith.constant 0 : i32
    %lt3A_4 = arith.cmpi slt, %rem3A, %lt3A : i32
    %lt3A_5 = arith.constant 0 : i32
    %lt3A_6 = arith.cmpi slt, %select_n3A, %lt3A_5 : i32
    %ne3A_7 = arith.xori %lt3A_4, %lt3A_6 : i1
    %and3A = arith.andi %ne3A_7, %ne3A_3 : i1
    %add3A_8 = arith.addi %rem3A, %select_n3A : i32
    %select_n3A_9 = arith.select %and3A, %add3A_8, %rem3A : i32
    %jit3A_10 = arith.constant 16 : i32
    %div3A = arith.divsi %add3A, %jit3A_10 : i32
    %sign3A = arith.constant 0 : i32
    %sign3A_11 = arith.cmpi sgt, %add3A, %sign3A : i32
    %sign3A_12 = arith.extui %sign3A_11 : i1 to i32
    %sign3A_13 = arith.constant 0 : i32
    %sign3A_14 = arith.cmpi slt, %add3A, %sign3A_13 : i32
    %sign3A_15 = arith.extui %sign3A_14 : i1 to i32
    %sign3A_16 = arith.subi %sign3A_12, %sign3A_15 : i32
    %sign3A_17 = arith.constant 0 : i32
    %sign3A_18 = arith.cmpi sgt, %jit3A_10, %sign3A_17 : i32
    %sign3A_19 = arith.extui %sign3A_18 : i1 to i32
    %sign3A_20 = arith.constant 0 : i32
    %sign3A_21 = arith.cmpi slt, %jit3A_10, %sign3A_20 : i32
    %sign3A_22 = arith.extui %sign3A_21 : i1 to i32
    %sign3A_23 = arith.subi %sign3A_19, %sign3A_22 : i32
    %ne3A_24 = arith.cmpi ne, %sign3A_16, %sign3A_23 : i32
    %rem3A_25 = arith.remsi %add3A, %jit3A_10 : i32
    %ne3A_26 = arith.constant 0 : i32
    %ne3A_27 = arith.cmpi ne, %rem3A_25, %ne3A_26 : i32
    %and3A_28 = arith.andi %ne3A_24, %ne3A_27 : i1
    %sub3A = arith.constant 1 : i32
    %sub3A_29 = arith.subi %div3A, %sub3A : i32
    %select_n3A_30 = arith.select %and3A_28, %sub3A_29, %div3A : i32
    %mul3A_31 = arith.constant 8 : i32
    %mul3A_32 = arith.muli %mul3A_31, %select_n3A_9 : i32
    %sub3A_33 = arith.constant 4088 : i32
    %sub3A_34 = arith.subi %sub3A_33, %mul3A_32 : i32
    %sub3A_35 = arith.constant 1920 : i32
    %sub3A_36 = arith.subi %sub3A_34, %sub3A_35 : i32
    %mul3A_37 = arith.constant 2048 : i32
    %mul3A_38 = arith.muli %mul3A_37, %select_n3A_30 : i32
    %sub3A_39 = arith.subi %sub3A_36, %mul3A_38 : i32
    tpu.enqueue_dma source(%arg3 : memref<32xf32, #tpu.memory_space<hbm>>) target(%arg14 : memref<32xf32, #tpu.memory_space<vmem>>) target_semaphore(%arg15 : memref<!tpu.dma_semaphore, #tpu.memory_space<semaphore_mem>>)
    %add3A_40 = arith.constant 0 : i32
    %add3A_41 = arith.addi %add3A_40, %sub3A_39 : i32
    %dma_start3A = tpu.memref_slice %arg2[%add3A_41] : memref<66560xi32, #tpu.memory_space<hbm>> -> memref<6144xi32, #tpu.memory_space<hbm>>
    %dma_start3A_42 = tpu.memref_slice %arg2[%add3A_41] : memref<66560xi32, #tpu.memory_space<hbm>> -> memref<6144xi32, #tpu.memory_space<hbm>>
    tpu.enqueue_dma source(%dma_start3A_42 : memref<6144xi32, #tpu.memory_space<hbm>>) target(%arg5 : memref<6144xi32, #tpu.memory_space<vmem>>) target_semaphore(%arg15 : memref<!tpu.dma_semaphore, #tpu.memory_space<semaphore_mem>>)
    %add3A_43 = arith.constant 8320 : i32
    %add3A_44 = arith.addi %add3A_43, %sub3A_39 : i32
    %dma_start3A_45 = tpu.memref_slice %arg2[%add3A_44] : memref<66560xi32, #tpu.memory_space<hbm>> -> memref<6144xi32, #tpu.memory_space<hbm>>
    %dma_start3A_46 = tpu.memref_slice %arg2[%add3A_44] : memref<66560xi32, #tpu.memory_space<hbm>> -> memref<6144xi32, #tpu.memory_space<hbm>>
    tpu.enqueue_dma source(%dma_start3A_46 : memref<6144xi32, #tpu.memory_space<hbm>>) target(%arg6 : memref<6144xi32, #tpu.memory_space<vmem>>) target_semaphore(%arg15 : memref<!tpu.dma_semaphore, #tpu.memory_space<semaphore_mem>>)
    %add3A_47 = arith.constant 16640 : i32
    %add3A_48 = arith.addi %add3A_47, %sub3A_39 : i32
    %dma_start3A_49 = tpu.memref_slice %arg2[%add3A_48] : memref<66560xi32, #tpu.memory_space<hbm>> -> memref<6144xi32, #tpu.memory_space<hbm>>
    %dma_start3A_50 = tpu.memref_slice %arg2[%add3A_48] : memref<66560xi32, #tpu.memory_space<hbm>> -> memref<6144xi32, #tpu.memory_space<hbm>>
    tpu.enqueue_dma source(%dma_start3A_50 : memref<6144xi32, #tpu.memory_space<hbm>>) target(%arg7 : memref<6144xi32, #tpu.memory_space<vmem>>) target_semaphore(%arg15 : memref<!tpu.dma_semaphore, #tpu.memory_space<semaphore_mem>>)
    %add3A_51 = arith.constant 24960 : i32
    %add3A_52 = arith.addi %add3A_51, %sub3A_39 : i32
    %dma_start3A_53 = tpu.memref_slice %arg2[%add3A_52] : memref<66560xi32, #tpu.memory_space<hbm>> -> memref<6144xi32, #tpu.memory_space<hbm>>
    %dma_start3A_54 = tpu.memref_slice %arg2[%add3A_52] : memref<66560xi32, #tpu.memory_space<hbm>> -> memref<6144xi32, #tpu.memory_space<hbm>>
    tpu.enqueue_dma source(%dma_start3A_54 : memref<6144xi32, #tpu.memory_space<hbm>>) target(%arg8 : memref<6144xi32, #tpu.memory_space<vmem>>) target_semaphore(%arg15 : memref<!tpu.dma_semaphore, #tpu.memory_space<semaphore_mem>>)
    %add3A_55 = arith.constant 33280 : i32
    %add3A_56 = arith.addi %add3A_55, %sub3A_39 : i32
    %dma_start3A_57 = tpu.memref_slice %arg2[%add3A_56] : memref<66560xi32, #tpu.memory_space<hbm>> -> memref<6144xi32, #tpu.memory_space<hbm>>
    %dma_start3A_58 = tpu.memref_slice %arg2[%add3A_56] : memref<66560xi32, #tpu.memory_space<hbm>> -> memref<6144xi32, #tpu.memory_space<hbm>>
    tpu.enqueue_dma source(%dma_start3A_58 : memref<6144xi32, #tpu.memory_space<hbm>>) target(%arg9 : memref<6144xi32, #tpu.memory_space<vmem>>) target_semaphore(%arg15 : memref<!tpu.dma_semaphore, #tpu.memory_space<semaphore_mem>>)
    %add3A_59 = arith.constant 41600 : i32
    %add3A_60 = arith.addi %add3A_59, %sub3A_39 : i32
    %dma_start3A_61 = tpu.memref_slice %arg2[%add3A_60] : memref<66560xi32, #tpu.memory_space<hbm>> -> memref<6144xi32, #tpu.memory_space<hbm>>
    %dma_start3A_62 = tpu.memref_slice %arg2[%add3A_60] : memref<66560xi32, #tpu.memory_space<hbm>> -> memref<6144xi32, #tpu.memory_space<hbm>>
    tpu.enqueue_dma source(%dma_start3A_62 : memref<6144xi32, #tpu.memory_space<hbm>>) target(%arg10 : memref<6144xi32, #tpu.memory_space<vmem>>) target_semaphore(%arg15 : memref<!tpu.dma_semaphore, #tpu.memory_space<semaphore_mem>>)
    %add3A_63 = arith.constant 49920 : i32
    %add3A_64 = arith.addi %add3A_63, %sub3A_39 : i32
    %dma_start3A_65 = tpu.memref_slice %arg2[%add3A_64] : memref<66560xi32, #tpu.memory_space<hbm>> -> memref<6144xi32, #tpu.memory_space<hbm>>
    %dma_start3A_66 = tpu.memref_slice %arg2[%add3A_64] : memref<66560xi32, #tpu.memory_space<hbm>> -> memref<6144xi32, #tpu.memory_space<hbm>>
    tpu.enqueue_dma source(%dma_start3A_66 : memref<6144xi32, #tpu.memory_space<hbm>>) target(%arg11 : memref<6144xi32, #tpu.memory_space<vmem>>) target_semaphore(%arg15 : memref<!tpu.dma_semaphore, #tpu.memory_space<semaphore_mem>>)
    %add3A_67 = arith.constant 58240 : i32
    %add3A_68 = arith.addi %add3A_67, %sub3A_39 : i32
    %dma_start3A_69 = tpu.memref_slice %arg2[%add3A_68] : memref<66560xi32, #tpu.memory_space<hbm>> -> memref<6144xi32, #tpu.memory_space<hbm>>
    %dma_start3A_70 = tpu.memref_slice %arg2[%add3A_68] : memref<66560xi32, #tpu.memory_space<hbm>> -> memref<6144xi32, #tpu.memory_space<hbm>>
    tpu.enqueue_dma source(%dma_start3A_70 : memref<6144xi32, #tpu.memory_space<hbm>>) target(%arg12 : memref<6144xi32, #tpu.memory_space<vmem>>) target_semaphore(%arg15 : memref<!tpu.dma_semaphore, #tpu.memory_space<semaphore_mem>>)
    tpu.wait_dma2 semaphore(%arg15 : memref<!tpu.dma_semaphore, #tpu.memory_space<semaphore_mem>>) src(%arg3 : memref<32xf32, #tpu.memory_space<hbm>>) dst(%arg14 : memref<32xf32, #tpu.memory_space<vmem>>)
    %dma_wait3A = tpu.memref_slice %arg2[%add3A_41] : memref<66560xi32, #tpu.memory_space<hbm>> -> memref<6144xi32, #tpu.memory_space<hbm>>
    %dma_wait3A_71 = tpu.memref_slice %arg2[%add3A_41] : memref<66560xi32, #tpu.memory_space<hbm>> -> memref<6144xi32, #tpu.memory_space<hbm>>
    tpu.wait_dma2 semaphore(%arg15 : memref<!tpu.dma_semaphore, #tpu.memory_space<semaphore_mem>>) src(%dma_wait3A_71 : memref<6144xi32, #tpu.memory_space<hbm>>) dst(%arg5 : memref<6144xi32, #tpu.memory_space<vmem>>)
    %dma_wait3A_72 = tpu.memref_slice %arg2[%add3A_44] : memref<66560xi32, #tpu.memory_space<hbm>> -> memref<6144xi32, #tpu.memory_space<hbm>>
    %dma_wait3A_73 = tpu.memref_slice %arg2[%add3A_44] : memref<66560xi32, #tpu.memory_space<hbm>> -> memref<6144xi32, #tpu.memory_space<hbm>>
    tpu.wait_dma2 semaphore(%arg15 : memref<!tpu.dma_semaphore, #tpu.memory_space<semaphore_mem>>) src(%dma_wait3A_73 : memref<6144xi32, #tpu.memory_space<hbm>>) dst(%arg6 : memref<6144xi32, #tpu.memory_space<vmem>>)
    %dma_wait3A_74 = tpu.memref_slice %arg2[%add3A_48] : memref<66560xi32, #tpu.memory_space<hbm>> -> memref<6144xi32, #tpu.memory_space<hbm>>
    %dma_wait3A_75 = tpu.memref_slice %arg2[%add3A_48] : memref<66560xi32, #tpu.memory_space<hbm>> -> memref<6144xi32, #tpu.memory_space<hbm>>
    tpu.wait_dma2 semaphore(%arg15 : memref<!tpu.dma_semaphore, #tpu.memory_space<semaphore_mem>>) src(%dma_wait3A_75 : memref<6144xi32, #tpu.memory_space<hbm>>) dst(%arg7 : memref<6144xi32, #tpu.memory_space<vmem>>)
    %dma_wait3A_76 = tpu.memref_slice %arg2[%add3A_52] : memref<66560xi32, #tpu.memory_space<hbm>> -> memref<6144xi32, #tpu.memory_space<hbm>>
    %dma_wait3A_77 = tpu.memref_slice %arg2[%add3A_52] : memref<66560xi32, #tpu.memory_space<hbm>> -> memref<6144xi32, #tpu.memory_space<hbm>>
    tpu.wait_dma2 semaphore(%arg15 : memref<!tpu.dma_semaphore, #tpu.memory_space<semaphore_mem>>) src(%dma_wait3A_77 : memref<6144xi32, #tpu.memory_space<hbm>>) dst(%arg8 : memref<6144xi32, #tpu.memory_space<vmem>>)
    %dma_wait3A_78 = tpu.memref_slice %arg2[%add3A_56] : memref<66560xi32, #tpu.memory_space<hbm>> -> memref<6144xi32, #tpu.memory_space<hbm>>
    %dma_wait3A_79 = tpu.memref_slice %arg2[%add3A_56] : memref<66560xi32, #tpu.memory_space<hbm>> -> memref<6144xi32, #tpu.memory_space<hbm>>
    tpu.wait_dma2 semaphore(%arg15 : memref<!tpu.dma_semaphore, #tpu.memory_space<semaphore_mem>>) src(%dma_wait3A_79 : memref<6144xi32, #tpu.memory_space<hbm>>) dst(%arg9 : memref<6144xi32, #tpu.memory_space<vmem>>)
    %dma_wait3A_80 = tpu.memref_slice %arg2[%add3A_60] : memref<66560xi32, #tpu.memory_space<hbm>> -> memref<6144xi32, #tpu.memory_space<hbm>>
    %dma_wait3A_81 = tpu.memref_slice %arg2[%add3A_60] : memref<66560xi32, #tpu.memory_space<hbm>> -> memref<6144xi32, #tpu.memory_space<hbm>>
    tpu.wait_dma2 semaphore(%arg15 : memref<!tpu.dma_semaphore, #tpu.memory_space<semaphore_mem>>) src(%dma_wait3A_81 : memref<6144xi32, #tpu.memory_space<hbm>>) dst(%arg10 : memref<6144xi32, #tpu.memory_space<vmem>>)
    %dma_wait3A_82 = tpu.memref_slice %arg2[%add3A_64] : memref<66560xi32, #tpu.memory_space<hbm>> -> memref<6144xi32, #tpu.memory_space<hbm>>
    %dma_wait3A_83 = tpu.memref_slice %arg2[%add3A_64] : memref<66560xi32, #tpu.memory_space<hbm>> -> memref<6144xi32, #tpu.memory_space<hbm>>
    tpu.wait_dma2 semaphore(%arg15 : memref<!tpu.dma_semaphore, #tpu.memory_space<semaphore_mem>>) src(%dma_wait3A_83 : memref<6144xi32, #tpu.memory_space<hbm>>) dst(%arg11 : memref<6144xi32, #tpu.memory_space<vmem>>)
    %dma_wait3A_84 = tpu.memref_slice %arg2[%add3A_68] : memref<66560xi32, #tpu.memory_space<hbm>> -> memref<6144xi32, #tpu.memory_space<hbm>>
    %dma_wait3A_85 = tpu.memref_slice %arg2[%add3A_68] : memref<66560xi32, #tpu.memory_space<hbm>> -> memref<6144xi32, #tpu.memory_space<hbm>>
    tpu.wait_dma2 semaphore(%arg15 : memref<!tpu.dma_semaphore, #tpu.memory_space<semaphore_mem>>) src(%dma_wait3A_85 : memref<6144xi32, #tpu.memory_space<hbm>>) dst(%arg12 : memref<6144xi32, #tpu.memory_space<vmem>>)
    %scan3A = arith.constant 0 : i32
    %scan3A_86 = arith.constant 0 : i32
    %scan3A_87 = arith.constant 47 : i32
    %scan3A_88 = arith.addi %scan3A_86, %scan3A_87 : i32
    %scan3A_89 = arith.constant 1 : i32
    scf.for %scan3A_103 = %scan3A_86 to %scan3A_88 step %scan3A_89  : i32 {
      %scan3A_104 = arith.constant 0 : i32
      %scan3A_105 = arith.constant 0 : i32
      %scan3A_106 = arith.constant 8 : i32
      %scan3A_107 = arith.addi %scan3A_105, %scan3A_106 : i32
      %scan3A_108 = arith.constant 1 : i32
      scf.for %scan3A_112 = %scan3A_105 to %scan3A_107 step %scan3A_108  : i32 {
        %mul3A_113 = arith.constant 8 : i32
        %mul3A_114 = arith.muli %mul3A_113, %scan3A_103 : i32
        %add3A_115 = arith.addi %mul3A_114, %scan3A_112 : i32
        %mul3A_116 = arith.constant 16 : i32
        %mul3A_117 = arith.muli %add3A_115, %mul3A_116 : i32
        %get3A = arith.index_cast %mul3A_117 : i32 to index
        %get3A_118 = tpu.vector_load %arg5[%get3A] {strides = array<i32>} : memref<6144xi32, #tpu.memory_space<vmem>>, vector<16xi32>,
        %gather3A = tpu.vector_load_idx %arg14[%get3A_118] : memref<32xf32, #tpu.memory_space<vmem>>[vector<16xi32>], vector<16xf32>,
        %mul3A_119 = arith.constant 16 : i32
        %mul3A_120 = arith.muli %add3A_115, %mul3A_119 : i32
        %swap3A = arith.constant 7 : i32
        %swap3A_121 = arith.index_cast %swap3A : i32 to index
        %swap3A_122 = arith.index_cast %mul3A_120 : i32 to index
        %swap3A_123 = tpu.vector_load %arg13[%swap3A_121, %swap3A_122] {strides = array<i32>} : memref<8x6144xf32, #tpu.memory_space<vmem>>, vector<16xf32>,
        tpu.vector_store %arg13[%swap3A_121, %swap3A_122], %gather3A {strides = array<i32>} : memref<8x6144xf32, #tpu.memory_space<vmem>>, vector<16xf32>,
        %mul3A_124 = arith.constant 16 : i32
        %mul3A_125 = arith.muli %add3A_115, %mul3A_124 : i32
        %get3A_126 = arith.index_cast %mul3A_125 : i32 to index
        %get3A_127 = tpu.vector_load %arg6[%get3A_126] {strides = array<i32>} : memref<6144xi32, #tpu.memory_space<vmem>>, vector<16xi32>,
        %gather3A_128 = tpu.vector_load_idx %arg14[%get3A_127] : memref<32xf32, #tpu.memory_space<vmem>>[vector<16xi32>], vector<16xf32>,
        %mul3A_129 = arith.constant 16 : i32
        %mul3A_130 = arith.muli %add3A_115, %mul3A_129 : i32
        %swap3A_131 = arith.constant 6 : i32
        %swap3A_132 = arith.index_cast %swap3A_131 : i32 to index
        %swap3A_133 = arith.index_cast %mul3A_130 : i32 to index
        %swap3A_134 = tpu.vector_load %arg13[%swap3A_132, %swap3A_133] {strides = array<i32>} : memref<8x6144xf32, #tpu.memory_space<vmem>>, vector<16xf32>,
        tpu.vector_store %arg13[%swap3A_132, %swap3A_133], %gather3A_128 {strides = array<i32>} : memref<8x6144xf32, #tpu.memory_space<vmem>>, vector<16xf32>,
        %mul3A_135 = arith.constant 16 : i32
        %mul3A_136 = arith.muli %add3A_115, %mul3A_135 : i32
        %get3A_137 = arith.index_cast %mul3A_136 : i32 to index
        %get3A_138 = tpu.vector_load %arg7[%get3A_137] {strides = array<i32>} : memref<6144xi32, #tpu.memory_space<vmem>>, vector<16xi32>,
        %gather3A_139 = tpu.vector_load_idx %arg14[%get3A_138] : memref<32xf32, #tpu.memory_space<vmem>>[vector<16xi32>], vector<16xf32>,
        %mul3A_140 = arith.constant 16 : i32
        %mul3A_141 = arith.muli %add3A_115, %mul3A_140 : i32
        %swap3A_142 = arith.constant 5 : i32
        %swap3A_143 = arith.index_cast %swap3A_142 : i32 to index
        %swap3A_144 = arith.index_cast %mul3A_141 : i32 to index
        %swap3A_145 = tpu.vector_load %arg13[%swap3A_143, %swap3A_144] {strides = array<i32>} : memref<8x6144xf32, #tpu.memory_space<vmem>>, vector<16xf32>,
        tpu.vector_store %arg13[%swap3A_143, %swap3A_144], %gather3A_139 {strides = array<i32>} : memref<8x6144xf32, #tpu.memory_space<vmem>>, vector<16xf32>,
        %mul3A_146 = arith.constant 16 : i32
        %mul3A_147 = arith.muli %add3A_115, %mul3A_146 : i32
        %get3A_148 = arith.index_cast %mul3A_147 : i32 to index
        %get3A_149 = tpu.vector_load %arg8[%get3A_148] {strides = array<i32>} : memref<6144xi32, #tpu.memory_space<vmem>>, vector<16xi32>,
        %gather3A_150 = tpu.vector_load_idx %arg14[%get3A_149] : memref<32xf32, #tpu.memory_space<vmem>>[vector<16xi32>], vector<16xf32>,
        %mul3A_151 = arith.constant 16 : i32
        %mul3A_152 = arith.muli %add3A_115, %mul3A_151 : i32
        %swap3A_153 = arith.constant 4 : i32
        %swap3A_154 = arith.index_cast %swap3A_153 : i32 to index
        %swap3A_155 = arith.index_cast %mul3A_152 : i32 to index
        %swap3A_156 = tpu.vector_load %arg13[%swap3A_154, %swap3A_155] {strides = array<i32>} : memref<8x6144xf32, #tpu.memory_space<vmem>>, vector<16xf32>,
        tpu.vector_store %arg13[%swap3A_154, %swap3A_155], %gather3A_150 {strides = array<i32>} : memref<8x6144xf32, #tpu.memory_space<vmem>>, vector<16xf32>,
        %mul3A_157 = arith.constant 16 : i32
        %mul3A_158 = arith.muli %add3A_115, %mul3A_157 : i32
        %get3A_159 = arith.index_cast %mul3A_158 : i32 to index
        %get3A_160 = tpu.vector_load %arg9[%get3A_159] {strides = array<i32>} : memref<6144xi32, #tpu.memory_space<vmem>>, vector<16xi32>,
        %gather3A_161 = tpu.vector_load_idx %arg14[%get3A_160] : memref<32xf32, #tpu.memory_space<vmem>>[vector<16xi32>], vector<16xf32>,
        %mul3A_162 = arith.constant 16 : i32
        %mul3A_163 = arith.muli %add3A_115, %mul3A_162 : i32
        %swap3A_164 = arith.constant 3 : i32
        %swap3A_165 = arith.index_cast %swap3A_164 : i32 to index
        %swap3A_166 = arith.index_cast %mul3A_163 : i32 to index
        %swap3A_167 = tpu.vector_load %arg13[%swap3A_165, %swap3A_166] {strides = array<i32>} : memref<8x6144xf32, #tpu.memory_space<vmem>>, vector<16xf32>,
        tpu.vector_store %arg13[%swap3A_165, %swap3A_166], %gather3A_161 {strides = array<i32>} : memref<8x6144xf32, #tpu.memory_space<vmem>>, vector<16xf32>,
        %mul3A_168 = arith.constant 16 : i32
        %mul3A_169 = arith.muli %add3A_115, %mul3A_168 : i32
        %get3A_170 = arith.index_cast %mul3A_169 : i32 to index
        %get3A_171 = tpu.vector_load %arg10[%get3A_170] {strides = array<i32>} : memref<6144xi32, #tpu.memory_space<vmem>>, vector<16xi32>,
        %gather3A_172 = tpu.vector_load_idx %arg14[%get3A_171] : memref<32xf32, #tpu.memory_space<vmem>>[vector<16xi32>], vector<16xf32>,
        %mul3A_173 = arith.constant 16 : i32
        %mul3A_174 = arith.muli %add3A_115, %mul3A_173 : i32
        %swap3A_175 = arith.constant 2 : i32
        %swap3A_176 = arith.index_cast %swap3A_175 : i32 to index
        %swap3A_177 = arith.index_cast %mul3A_174 : i32 to index
        %swap3A_178 = tpu.vector_load %arg13[%swap3A_176, %swap3A_177] {strides = array<i32>} : memref<8x6144xf32, #tpu.memory_space<vmem>>, vector<16xf32>,
        tpu.vector_store %arg13[%swap3A_176, %swap3A_177], %gather3A_172 {strides = array<i32>} : memref<8x6144xf32, #tpu.memory_space<vmem>>, vector<16xf32>,
        %mul3A_179 = arith.constant 16 : i32
        %mul3A_180 = arith.muli %add3A_115, %mul3A_179 : i32
        %get3A_181 = arith.index_cast %mul3A_180 : i32 to index
        %get3A_182 = tpu.vector_load %arg11[%get3A_181] {strides = array<i32>} : memref<6144xi32, #tpu.memory_space<vmem>>, vector<16xi32>,
        %gather3A_183 = tpu.vector_load_idx %arg14[%get3A_182] : memref<32xf32, #tpu.memory_space<vmem>>[vector<16xi32>], vector<16xf32>,
        %mul3A_184 = arith.constant 16 : i32
        %mul3A_185 = arith.muli %add3A_115, %mul3A_184 : i32
        %swap3A_186 = arith.constant 1 : i32
        %swap3A_187 = arith.index_cast %swap3A_186 : i32 to index
        %swap3A_188 = arith.index_cast %mul3A_185 : i32 to index
        %swap3A_189 = tpu.vector_load %arg13[%swap3A_187, %swap3A_188] {strides = array<i32>} : memref<8x6144xf32, #tpu.memory_space<vmem>>, vector<16xf32>,
        tpu.vector_store %arg13[%swap3A_187, %swap3A_188], %gather3A_183 {strides = array<i32>} : memref<8x6144xf32, #tpu.memory_space<vmem>>, vector<16xf32>,
        %mul3A_190 = arith.constant 16 : i32
        %mul3A_191 = arith.muli %add3A_115, %mul3A_190 : i32
        %get3A_192 = arith.index_cast %mul3A_191 : i32 to index
        %get3A_193 = tpu.vector_load %arg12[%get3A_192] {strides = array<i32>} : memref<6144xi32, #tpu.memory_space<vmem>>, vector<16xi32>,
        %gather3A_194 = tpu.vector_load_idx %arg14[%get3A_193] : memref<32xf32, #tpu.memory_space<vmem>>[vector<16xi32>], vector<16xf32>,
        %mul3A_195 = arith.constant 16 : i32
        %mul3A_196 = arith.muli %add3A_115, %mul3A_195 : i32
        %swap3A_197 = arith.constant 0 : i32
        %swap3A_198 = arith.index_cast %swap3A_197 : i32 to index
        %swap3A_199 = arith.index_cast %mul3A_196 : i32 to index
        %swap3A_200 = tpu.vector_load %arg13[%swap3A_198, %swap3A_199] {strides = array<i32>} : memref<8x6144xf32, #tpu.memory_space<vmem>>, vector<16xf32>,
        tpu.vector_store %arg13[%swap3A_198, %swap3A_199], %gather3A_194 {strides = array<i32>} : memref<8x6144xf32, #tpu.memory_space<vmem>>, vector<16xf32>,
      }
      %scan3A_109 = arith.constant 8 : i32
      %ge3A = arith.constant 7 : i32
      %ge3A_110 = arith.cmpi sge, %scan3A_103, %ge3A : i32
      %convert_element_type3A = arith.extui %ge3A_110 : i1 to i32
      %cond3A = arith.constant 0 : i32
      %cond3A_111 = arith.cmpi ne, %convert_element_type3A, %cond3A : i32
      scf.if %cond3A_111 {
        %sub3A_112 = arith.constant 7 : i32
        %sub3A_113 = arith.subi %scan3A_103, %sub3A_112 : i32
        %jit3A_114 = arith.constant 16 : i32
        %eq3A_115 = arith.constant 0 : i32
        %eq3A_116 = arith.cmpi eq, %jit3A_114, %eq3A_115 : i32
        %jit3A_117 = arith.constant 1 : i32
        %select_n3A_118 = arith.select %eq3A_116, %jit3A_117, %jit3A_114 : i32
        %rem3A_119 = arith.remsi %sub3A_113, %select_n3A_118 : i32
        %ne3A_120 = arith.constant 0 : i32
        %ne3A_121 = arith.cmpi ne, %rem3A_119, %ne3A_120 : i32
        %lt3A_122 = arith.constant 0 : i32
        %lt3A_123 = arith.cmpi slt, %rem3A_119, %lt3A_122 : i32
        %lt3A_124 = arith.constant 0 : i32
        %lt3A_125 = arith.cmpi slt, %select_n3A_118, %lt3A_124 : i32
        %ne3A_126 = arith.xori %lt3A_123, %lt3A_125 : i1
        %and3A_127 = arith.andi %ne3A_126, %ne3A_121 : i1
        %add3A_128 = arith.addi %rem3A_119, %select_n3A_118 : i32
        %select_n3A_129 = arith.select %and3A_127, %add3A_128, %rem3A_119 : i32
        %jit3A_130 = arith.constant 16 : i32
        %div3A_131 = arith.divsi %sub3A_113, %jit3A_130 : i32
        %sign3A_132 = arith.constant 0 : i32
        %sign3A_133 = arith.cmpi sgt, %sub3A_113, %sign3A_132 : i32
        %sign3A_134 = arith.extui %sign3A_133 : i1 to i32
        %sign3A_135 = arith.constant 0 : i32
        %sign3A_136 = arith.cmpi slt, %sub3A_113, %sign3A_135 : i32
        %sign3A_137 = arith.extui %sign3A_136 : i1 to i32
        %sign3A_138 = arith.subi %sign3A_134, %sign3A_137 : i32
        %sign3A_139 = arith.constant 0 : i32
        %sign3A_140 = arith.cmpi sgt, %jit3A_130, %sign3A_139 : i32
        %sign3A_141 = arith.extui %sign3A_140 : i1 to i32
        %sign3A_142 = arith.constant 0 : i32
        %sign3A_143 = arith.cmpi slt, %jit3A_130, %sign3A_142 : i32
        %sign3A_144 = arith.extui %sign3A_143 : i1 to i32
        %sign3A_145 = arith.subi %sign3A_141, %sign3A_144 : i32
        %ne3A_146 = arith.cmpi ne, %sign3A_138, %sign3A_145 : i32
        %rem3A_147 = arith.remsi %sub3A_113, %jit3A_130 : i32
        %ne3A_148 = arith.constant 0 : i32
        %ne3A_149 = arith.cmpi ne, %rem3A_147, %ne3A_148 : i32
        %and3A_150 = arith.andi %ne3A_146, %ne3A_149 : i1
        %sub3A_151 = arith.constant 1 : i32
        %sub3A_152 = arith.subi %div3A_131, %sub3A_151 : i32
        %select_n3A_153 = arith.select %and3A_150, %sub3A_152, %div3A_131 : i32
        %mul3A_154 = arith.constant 128 : i32
        %mul3A_155 = arith.muli %mul3A_154, %select_n3A_129 : i32
        %mul3A_156 = arith.constant 1024 : i32
        %mul3A_157 = arith.muli %mul3A_156, %select_n3A_153 : i32
        %add3A_158 = arith.addi %mul3A_155, %mul3A_157 : i32
        %mul3A_159 = arith.constant 8 : i32
        %mul3A_160 = arith.muli %mul3A_159, %select_n3A_9 : i32
        %mul3A_161 = arith.constant 2048 : i32
        %mul3A_162 = arith.muli %mul3A_161, %select_n3A_30 : i32
        %add3A_163 = arith.addi %mul3A_160, %mul3A_162 : i32
        %sub3A_164 = arith.constant 15 : i32
        %sub3A_165 = arith.subi %sub3A_164, %select_n3A_129 : i32
        %mul3A_166 = arith.constant 128 : i32
        %mul3A_167 = arith.muli %mul3A_166, %sub3A_165 : i32
        %add3A_168 = arith.addi %add3A_163, %mul3A_167 : i32
        %mul3A_169 = arith.constant 1024 : i32
        %mul3A_170 = arith.muli %mul3A_169, %select_n3A_153 : i32
        %dma_start3A_171 = arith.constant 0 : i32
        %dma_start3A_172 = tpu.memref_slice %arg13[%dma_start3A_171, %add3A_158] : memref<8x6144xf32, #tpu.memory_space<vmem>> -> memref<8x1024xf32, #tpu.memory_space<vmem>>
        %dma_start3A_173 = tpu.memref_slice %arg4[%add3A_168, %mul3A_170] : memref<4096x4096xf32, #tpu.memory_space<hbm>> -> memref<8x1024xf32, #tpu.memory_space<hbm>>
        %dma_start3A_174 = tpu.memref_slice %arg4[%add3A_168, %mul3A_170] : memref<4096x4096xf32, #tpu.memory_space<hbm>> -> memref<8x1024xf32, #tpu.memory_space<hbm>>
        %dma_start3A_175 = arith.constant 0 : i32
        %dma_start3A_176 = tpu.memref_slice %arg13[%dma_start3A_175, %add3A_158] : memref<8x6144xf32, #tpu.memory_space<vmem>> -> memref<8x1024xf32, #tpu.memory_space<vmem>>
        tpu.enqueue_dma source(%dma_start3A_176 : memref<8x1024xf32, #tpu.memory_space<vmem>>) target(%dma_start3A_174 : memref<8x1024xf32, #tpu.memory_space<hbm>>) target_semaphore(%arg16 : memref<!tpu.dma_semaphore, #tpu.memory_space<semaphore_mem>>)
      } else {
      }
    }
    %scan3A_90 = arith.constant 47 : i32
    %scan3A_91 = arith.constant 0 : i32
    %scan3A_92 = arith.constant 0 : i32
    %scan3A_93 = arith.constant 24 : i32
    %scan3A_94 = arith.addi %scan3A_92, %scan3A_93 : i32
    %scan3A_95 = arith.constant 1 : i32
    scf.for %scan3A_103 = %scan3A_92 to %scan3A_94 step %scan3A_95  : i32 {
      %add3A_104 = arith.constant 40 : i32
      %add3A_105 = arith.addi %add3A_104, %scan3A_103 : i32
      %jit3A_106 = arith.constant 16 : i32
      %eq3A_107 = arith.constant 0 : i32
      %eq3A_108 = arith.cmpi eq, %jit3A_106, %eq3A_107 : i32
      %jit3A_109 = arith.constant 1 : i32
      %select_n3A_110 = arith.select %eq3A_108, %jit3A_109, %jit3A_106 : i32
      %rem3A_111 = arith.remsi %add3A_105, %select_n3A_110 : i32
      %ne3A_112 = arith.constant 0 : i32
      %ne3A_113 = arith.cmpi ne, %rem3A_111, %ne3A_112 : i32
      %lt3A_114 = arith.constant 0 : i32
      %lt3A_115 = arith.cmpi slt, %rem3A_111, %lt3A_114 : i32
      %lt3A_116 = arith.constant 0 : i32
      %lt3A_117 = arith.cmpi slt, %select_n3A_110, %lt3A_116 : i32
      %ne3A_118 = arith.xori %lt3A_115, %lt3A_117 : i1
      %and3A_119 = arith.andi %ne3A_118, %ne3A_113 : i1
      %add3A_120 = arith.addi %rem3A_111, %select_n3A_110 : i32
      %select_n3A_121 = arith.select %and3A_119, %add3A_120, %rem3A_111 : i32
      %jit3A_122 = arith.constant 16 : i32
      %div3A_123 = arith.divsi %add3A_105, %jit3A_122 : i32
      %sign3A_124 = arith.constant 0 : i32
      %sign3A_125 = arith.cmpi sgt, %add3A_105, %sign3A_124 : i32
      %sign3A_126 = arith.extui %sign3A_125 : i1 to i32
      %sign3A_127 = arith.constant 0 : i32
      %sign3A_128 = arith.cmpi slt, %add3A_105, %sign3A_127 : i32
      %sign3A_129 = arith.extui %sign3A_128 : i1 to i32
      %sign3A_130 = arith.subi %sign3A_126, %sign3A_129 : i32
      %sign3A_131 = arith.constant 0 : i32
      %sign3A_132 = arith.cmpi sgt, %jit3A_122, %sign3A_131 : i32
      %sign3A_133 = arith.extui %sign3A_132 : i1 to i32
      %sign3A_134 = arith.constant 0 : i32
      %sign3A_135 = arith.cmpi slt, %jit3A_122, %sign3A_134 : i32
      %sign3A_136 = arith.extui %sign3A_135 : i1 to i32
      %sign3A_137 = arith.subi %sign3A_133, %sign3A_136 : i32
      %ne3A_138 = arith.cmpi ne, %sign3A_130, %sign3A_137 : i32
      %rem3A_139 = arith.remsi %add3A_105, %jit3A_122 : i32
      %ne3A_140 = arith.constant 0 : i32
      %ne3A_141 = arith.cmpi ne, %rem3A_139, %ne3A_140 : i32
      %and3A_142 = arith.andi %ne3A_138, %ne3A_141 : i1
      %sub3A_143 = arith.constant 1 : i32
      %sub3A_144 = arith.subi %div3A_123, %sub3A_143 : i32
      %select_n3A_145 = arith.select %and3A_142, %sub3A_144, %div3A_123 : i32
      %mul3A_146 = arith.constant 128 : i32
      %mul3A_147 = arith.muli %mul3A_146, %select_n3A_121 : i32
      %mul3A_148 = arith.constant 1024 : i32
      %mul3A_149 = arith.muli %mul3A_148, %select_n3A_145 : i32
      %add3A_150 = arith.addi %mul3A_147, %mul3A_149 : i32
      %mul3A_151 = arith.constant 8 : i32
      %mul3A_152 = arith.muli %mul3A_151, %select_n3A_9 : i32
      %mul3A_153 = arith.constant 2048 : i32
      %mul3A_154 = arith.muli %mul3A_153, %select_n3A_30 : i32
      %add3A_155 = arith.addi %mul3A_152, %mul3A_154 : i32
      %sub3A_156 = arith.constant 15 : i32
      %sub3A_157 = arith.subi %sub3A_156, %select_n3A_121 : i32
      %mul3A_158 = arith.constant 128 : i32
      %mul3A_159 = arith.muli %mul3A_158, %sub3A_157 : i32
      %add3A_160 = arith.addi %add3A_155, %mul3A_159 : i32
      %mul3A_161 = arith.constant 1024 : i32
      %mul3A_162 = arith.muli %mul3A_161, %select_n3A_145 : i32
      %dma_start3A_163 = arith.constant 0 : i32
      %dma_start3A_164 = tpu.memref_slice %arg13[%dma_start3A_163, %add3A_150] : memref<8x6144xf32, #tpu.memory_space<vmem>> -> memref<8x1024xf32, #tpu.memory_space<vmem>>
      %dma_start3A_165 = tpu.memref_slice %arg4[%add3A_160, %mul3A_162] : memref<4096x4096xf32, #tpu.memory_space<hbm>> -> memref<8x1024xf32, #tpu.memory_space<hbm>>
      %dma_start3A_166 = tpu.memref_slice %arg4[%add3A_160, %mul3A_162] : memref<4096x4096xf32, #tpu.memory_space<hbm>> -> memref<8x1024xf32, #tpu.memory_space<hbm>>
      %dma_start3A_167 = arith.constant 0 : i32
      %dma_start3A_168 = tpu.memref_slice %arg13[%dma_start3A_167, %add3A_150] : memref<8x6144xf32, #tpu.memory_space<vmem>> -> memref<8x1024xf32, #tpu.memory_space<vmem>>
      tpu.enqueue_dma source(%dma_start3A_168 : memref<8x1024xf32, #tpu.memory_space<vmem>>) target(%dma_start3A_166 : memref<8x1024xf32, #tpu.memory_space<hbm>>) target_semaphore(%arg16 : memref<!tpu.dma_semaphore, #tpu.memory_space<semaphore_mem>>)
    }
    %scan3A_96 = arith.constant 24 : i32
    %scan3A_97 = arith.constant 0 : i32
    %scan3A_98 = arith.constant 0 : i32
    %scan3A_99 = arith.constant 64 : i32
    %scan3A_100 = arith.addi %scan3A_98, %scan3A_99 : i32
    %scan3A_101 = arith.constant 1 : i32
    scf.for %scan3A_103 = %scan3A_98 to %scan3A_100 step %scan3A_101  : i32 {
      %dma_wait3A_104 = arith.constant 0 : i32
      %dma_wait3A_105 = arith.constant 0 : i32
      %dma_wait3A_106 = tpu.memref_slice %arg13[%dma_wait3A_104, %dma_wait3A_105] : memref<8x6144xf32, #tpu.memory_space<vmem>> -> memref<8x1024xf32, #tpu.memory_space<vmem>>
      %dma_wait3A_107 = arith.constant 0 : i32
      %dma_wait3A_108 = arith.constant 0 : i32
      %dma_wait3A_109 = tpu.memref_slice %arg4[%dma_wait3A_107, %dma_wait3A_108] : memref<4096x4096xf32, #tpu.memory_space<hbm>> -> memref<8x1024xf32, #tpu.memory_space<hbm>>
      %dma_wait3A_110 = arith.constant 0 : i32
      %dma_wait3A_111 = arith.constant 0 : i32
      %dma_wait3A_112 = tpu.memref_slice %arg4[%dma_wait3A_110, %dma_wait3A_111] : memref<4096x4096xf32, #tpu.memory_space<hbm>> -> memref<8x1024xf32, #tpu.memory_space<hbm>>
      %dma_wait3A_113 = arith.constant 0 : i32
      %dma_wait3A_114 = arith.constant 0 : i32
      %dma_wait3A_115 = tpu.memref_slice %arg13[%dma_wait3A_113, %dma_wait3A_114] : memref<8x6144xf32, #tpu.memory_space<vmem>> -> memref<8x1024xf32, #tpu.memory_space<vmem>>
      tpu.wait_dma2 semaphore(%arg16 : memref<!tpu.dma_semaphore, #tpu.memory_space<semaphore_mem>>) src(%dma_wait3A_115 : memref<8x1024xf32, #tpu.memory_space<vmem>>) dst(%dma_wait3A_112 : memref<8x1024xf32, #tpu.memory_space<hbm>>)
    }
    %scan3A_102 = arith.constant 64 : i32
    return
  }
}

</mosaic_0001>

<sc_bundles>
// kernel: kernel.3.cloned.1.call-start
scs
__scs_entry_jumppad:
0x0: {  	(pc) =	sbr.rel $0x88, $3  }
0x1: {  	(tag) =	ssettag $0x0;
	lr =	simm.s32 $0x1  }
0x2: {  	[smem:$0x3FA0] =	sst lr;
	_ =	strace $0xD0000000  }
0x3: {  	_ = 	snop  }
0x4: {  	_ = 	snop  }
0x5: {  	_ = 	snop  }
0x6: {  	_ = 	snop  }
0x7: {  	_ = 	snop  }
__scs_overlays_trampoline_lowered:
0x8: {  	[smem:$0x3FAF] =	sst s0  }
0x9: {  	[smem:$0x3FB0] =	sst s1  }
0xa: {  	[smem:$0x3FB1] =	sst s2  }
0xb: {  	[smem:$0x3FB2] =	sst s3  }
0xc: {  	[smem:$0x3FB3] =	sst s4  }
0xd: {  	[smem:$0x3FB4] =	sst s5  }
0xe: {  	[smem:$0x3FB5] =	sst s6  }
0xf: {  	[smem:$0x3FB6] =	sst s7  }
0x10: {  	[smem:$0x3FB7] =	sst s8  }
0x11: {  	[smem:$0x3FB8] =	sst s9;
	s0 =	simm.s32 @!p0 $0x0  }
0x12: {  	s1 =	sld [smem:$0x3F9E];
	s0 =	simm.s32 @p0 $0x1  }
0x13: {  	[smem:$0x3FB9] =	sst s0;
	s0 =	simm.s32 @!p1 $0x0  }
0x14: {  	s2 =	sld [smem:$0x3F9D];
	s0 =	simm.s32 @p1 $0x1  }
0x15: {  	[smem:$0x3FBA] =	sst s0;
	s0 =	simm.s32 @!p2 $0x0  }
0x16: {  	s3 =	sld [smem:$0x3FDB];
	s0 =	simm.s32 @p2 $0x1  }
0x17: {  	s4 =	simm.s32 $0x1BF5;
	[smem:$0x3FBC] =	sst s0  }
0x18: {  	s0 =	sld [smem:$0x3F9F];
	_ =	swait.ge [sflag:s4], $0x0  }
0x19: {  	s7 =	sld [smem:$0x3FA0]  }
0x1a: {  	s8 =	sadd.s32 $0xFFFFE003, lr  }
0x1b: {  	s9 =	sadd.s32 $0xFFFFFEF7, lr;
	s5 =	simm.s32 $0xFFFFFFFF;
	p2 =	slt.u32 s8, $0xFFFFF086  }
0x1c: {  	p1 =	slt.u32 s9, $0xF7A;
	s5 =	simm.s32 @!p2 $0x0  }
0x1d: {  	s5 =	simm.s32 @p1 $0x1;
	p0 =	seq.s32 s7, s2  }
0x1e: {  	s7 =	smul.u32 @!p0 $0xF7A, s2;
	p2 =	seq.s32 @!p0 s5, $0x0  }
0x1f: {  	s9 =	smul.u32 $0xF7A, s1;
	s8 =	simm.s32 @!p0 $0x1BF5;
	p2 =	por !p2, p0  }
0x20: {  	[sflag:s8] =	ssyncset.s32 @!p0 $0xFFFFF086;
	s6 =	sadd.s32 @!p0 s3, s7;
	s7 =	simm.s32 @!p0 $0x108  }
0x21: {  	s3 =	sadd.s32 s3, s9;
	s6 =	sadd.s32 @!p0 $0x88, s6;
	s7 =	simm.s32 @p2 $0x1082  }
0x22: {  	[simem:s7], [sflag:s8] =	dma.local @!p0 [hbm:s6], $0xF7A  }
0x23: {  	s9 =	sor.u32 $0xD0000000, s2;
	s6 =	simm.s32 $0x108;
	_ =	swait.ge @!p0 [sflag:s8], $0x0  }
0x24: {  	s3 =	sadd.s32 $0x88, s3;
	s6 =	simm.s32 @!p1 $0x1082;
	[sflag:s4] =	ssyncset.s32 $0xFFFFF086  }
0x25: {  	[simem:s6], [sflag:s4] =	dma.local [hbm:s3], $0xF7A  }
0x26: {  	[smem:$0x3FA0] =	sst s1;
	(tag) =	ssettag s2;
	_ =	strace s9  }
0x27: {  	s1 =	sld [smem:$0x3FB0]  }
0x28: {  	s2 =	sld [smem:$0x3FB1]  }
0x29: {  	s4 =	sld [smem:$0x3FB3]  }
0x2a: {  	p0 =	seq.s32 s5, $0x0;
	s5 =	sld [smem:$0x3FB4]  }
0x2b: {  	s6 =	sld [smem:$0x3FB5]  }
0x2c: {  	s7 =	sld [smem:$0x3FB6]  }
0x2d: {  	s3 =	simm.s32 $0x108;
	s8 =	sld [smem:$0x3FB7]  }
0x2e: {  	s3 =	simm.s32 @!p0 $0x1082;
	s9 =	sld [smem:$0x3FB8]  }
0x2f: {  	lr =	sadd.s32 s0, s3;
	s0 =	sld [smem:$0x3FAF]  }
0x30: {  	s3 =	sld [smem:$0x3FB2]  }
0x31: {  	[smem:$0x3FBB] =	sst s10  }
0x32: {  	s10 =	sld [smem:$0x3FB9];
	_ =	sdelay $0x3  }
0x33: {  	p0 =	seq.s32 s10, $0x1;
	s10 =	sld [smem:$0x3FBB];
	_ =	sdelay $0x3  }
0x34: {  	[smem:$0x3FBB] =	sst s10  }
0x35: {  	s10 =	sld [smem:$0x3FBA];
	_ =	sdelay $0x3  }
0x36: {  	p1 =	seq.s32 s10, $0x1;
	s10 =	sld [smem:$0x3FBB];
	_ =	sdelay $0x3  }
0x37: {  	[smem:$0x3FBB] =	sst s10  }
0x38: {  	s10 =	sld [smem:$0x3FBC]  }
0x39: {  	_ = 	snop;
	(pc) =	sbr.ind lr, $3  }
0x3a: {  	_ = 	snop  }
0x3b: {  	_ = 	snop  }
0x3c: {  	p2 =	seq.s32 s10, $0x1;
	s10 =	sld [smem:$0x3FBB]  }
0x3d: {  	_ =	shalt  }
0x3e: {  	_ =	shalt  }
0x3f: {  	_ =	shalt  }
0x40: {  	_ =	shalt  }
0x41: {  	_ =	shalt  }
0x42: {  	_ =	shalt  }
0x43: {  	_ =	shalt  }
0x44: {  	_ =	shalt  }
0x45: {  	_ =	shalt  }
0x46: {  	_ =	shalt  }
0x47: {  	_ =	shalt  }
0x48: {  	_ =	shalt  }
0x49: {  	_ =	shalt  }
0x4a: {  	_ =	shalt  }
0x4b: {  	_ =	shalt  }
0x4c: {  	_ =	shalt  }
0x4d: {  	_ =	shalt  }
0x4e: {  	_ =	shalt  }
0x4f: {  	_ =	shalt  }
0x50: {  	_ =	shalt  }
0x51: {  	_ =	shalt  }
0x52: {  	_ =	shalt  }
0x53: {  	_ =	shalt  }
0x54: {  	_ =	shalt  }
0x55: {  	_ =	shalt  }
0x56: {  	_ =	shalt  }
0x57: {  	_ =	shalt  }
0x58: {  	_ =	shalt  }
0x59: {  	_ =	shalt  }
0x5a: {  	_ =	shalt  }
0x5b: {  	_ =	shalt  }
0x5c: {  	_ =	shalt  }
0x5d: {  	_ =	shalt  }
0x5e: {  	_ =	shalt  }
0x5f: {  	_ =	shalt  }
0x60: {  	_ =	shalt  }
0x61: {  	_ =	shalt  }
0x62: {  	_ =	shalt  }
0x63: {  	_ =	shalt  }
0x64: {  	_ =	shalt  }
0x65: {  	_ =	shalt  }
0x66: {  	_ =	shalt  }
0x67: {  	_ =	shalt  }
0x68: {  	_ =	shalt  }
0x69: {  	_ =	shalt  }
0x6a: {  	_ =	shalt  }
0x6b: {  	_ =	shalt  }
0x6c: {  	_ =	shalt  }
0x6d: {  	_ =	shalt  }
0x6e: {  	_ =	shalt  }
0x6f: {  	_ =	shalt  }
0x70: {  	_ =	shalt  }
0x71: {  	_ =	shalt  }
0x72: {  	_ =	shalt  }
0x73: {  	_ =	shalt  }
0x74: {  	_ =	shalt  }
0x75: {  	_ =	shalt  }
0x76: {  	_ =	shalt  }
0x77: {  	_ =	shalt  }
0x78: {  	_ =	shalt  }
0x79: {  	_ =	shalt  }
0x7a: {  	_ =	shalt  }
0x7b: {  	_ =	shalt  }
0x7c: {  	_ =	shalt  }
0x7d: {  	_ =	shalt  }
0x7e: {  	_ =	shalt  }
0x7f: {  	_ =	shalt  }
0x80: {  	_ =	shalt  }
0x81: {  	_ =	shalt  }
0x82: {  	_ =	shalt  }
0x83: {  	_ =	shalt  }
0x84: {  	_ =	shalt  }
0x85: {  	_ =	shalt  }
0x86: {  	_ =	shalt  }
0x87: {  	_ =	shalt  }
.Lfunc_end0:
.L_simem_size_0:
called_computation_lowered:
.L_overlay_start_0:
0x88: {  	s2 =	sld [smem:$0x3FD9]  }
0x89: {  	s3 =	sld [smem:$0x3FFE];
	_ =	sdelay $0x1  }
0x8a: {  	s1 =	srdreg.scid  }
0x8b: {  	s0 =	sand.u32 $0x1, s1  }
0x8c: {  	s17 =	sshll.u32 s0, $0xA;
	s2 =	sadd.s32 s3, s2  }
0x8d: {  	s2 =	sadd.s32 s2, s17  }
0x8e: {  	[smem:$0x3FC7] =	sst s2  }
0x8f: {  	_ = 	snop  }
0x90: {  	s2 =	sld [smem:$0x3FC9]  }
0x91: {  	s18 =	sld [smem:$0x3FD0];
	(tm) =	ssettm $0x1  }
0x92: {  	s4 =	sld [smem:$0x3FFB];
	_ =	sdelay $0x3  }
0x93: {  	_ =	strace s4  }
0x94: {  	s4 =	sld [smem:$0x3FFC];
	_ =	sdelay $0x3  }
0x95: {  	_ =	strace s4  }
0x96: {  	s4 =	sld [smem:$0x3FFD];
	_ =	sdelay $0x3  }
0x97: {  	_ =	strace s4  }
0x98: {  	_ =	strace $0x8FFFFFFF  }
0x99: {  	s19 =	sld [smem:$0x3FDB];
	_ =	sdelay $0x1  }
0x9a: {  	s5 =	simm.s32 $_scs_section_size  }
0x9b: {  	s6 =	simm.s32 $_size__tile_overlayer_lowered;
	s7 =	simm.s32 $_tile_overlayer_lowered  }
0x9c: {  	s22 =	simm.s32 $0x1BFF;
	s21 =	sshll.u32 s7, $0x1;
	s4 =	sadd.s32 s5, s19  }
0x9d: {  	s8 =	simm.s32 $0x0;
	s20 =	sshll.u32 s6, $0x1;
	s6 =	sadd.s32 s21, s4  }
0x9e: {  	[timem:s8], [sflag:s22] =	dma.local [hbm:s6], s20  }
0x9f: {  	_ =	swait.ge [sflag:s22], s20  }
0xa0: {  	s5 =	ssub.s32 $0x0, s20;
	[sflag:s22] =	ssyncset.done $0x0  }
0xa1: {  	[sflag:s22] =	ssyncadd.s32 s5;
	_ =	sdelay $0x1  }
0xa2: {  	s23 =	simm.s32 $0x1B8B  }
0xa3: {  	_ =	swait.ge [sflag:s23], $0x1  }
0xa4: {  	[sflag:s23] =	ssyncset.done $0x0  }
0xa5: {  	s25 =	simm.s32 $0x1B8E;
	s24 =	sld [smem:$0x3FFE];
	[sflag:s23] =	ssyncadd.s32 $0xFFFFFFFF  }
0xa6: {  	s26 =	simm.s32 $execute0_lowered;
	[smem:$0x3FD2] =	sst s25  }
0xa7: {  	s6 =	sshll.u32 s26, $0x1;
	_ =	strace $0x80000046;
	[dreg:$0x1] =	wrdreg $0xFFFFFFFF  }
0xa8: {  	s28 =	simm.s32 $_size_execute0_lowered;
	s4 =	sadd.s32 s4, s6;
	[dreg:$0x0] =	wrdreg $0x0  }
0xa9: {  	s6 =	sshll.u32 s28, $0x1;
	[dreg:$0x2] =	wrdreg s4  }
0xaa: {  	[dreg:$0x3] =	wrdreg s6  }
0xab: {  	[dreg:$0x4] =	wrdreg $0xC0  }
0xac: {  	_ =	task [dreg:s8], $0x5FFFF  }
0xad: {  	[dreg:$0x1] =	wrdreg $0xFFFFFFFF  }
0xae: {  	[dreg:$0x0] =	wrdreg $0x60  }
0xaf: {  	[dreg:$0x2] =	wrdreg s24  }
0xb0: {  	[dreg:$0x3] =	wrdreg s2  }
0xb1: {  	[dreg:$0x4] =	wrdreg s18  }
0xb2: {  	[dreg:$0x5] =	wrdreg $0x9  }
0xb3: {  	_ =	task.clear_ibuf [dreg:s8], $0x6FFFF;
	_ =	strace $0x90000046  }
0xb4: {  	s29 =	simm.s32 $0x9;
	_ =	strace $0x80000048  }
0xb5: {  	_ =	swait.ge [sflag:s29], $0x1  }
0xb6: {  	[sflag:s29] =	ssyncadd.s32 $0xFFFFFFFF  }
0xb7: {  	_ =	strace $0x90000048  }
0xb8: {  	_ =	sfence  }
0xb9: {  	s30 =	sld [smem:$0x0];
	_ =	sdelay $0x2  }
0xba: {  	s31 =	sshll.u32 s1, $0xD;
	s1 =	sshrl.u32 s1, $0x2  }
0xbb: {  	s3 =	sand.u32 $0x4000, s31;
	s1 =	sadd.s32 s1, s30  }
0xbc: {  	s0 =	sor.u32 s3, s0;
	s1 =	sshll.u32 s1, $0x11  }
0xbd: {  	s0 =	sor.u32 s1, s0  }
0xbe: {  	s0 =	sadd.s32 $0x8F2B, s0  }
0xbf: {  	[sflag:s0] =	ssyncadd.remote.s32 $0x1  }
0xc0: {  	_ =	sfence.sel $0xFFFF  }
0xc1: {  	[dreg:$0x0] =	wrdreg $0xFFFFFFFF;
	(pc) =	sbr.abs _section_cstart, $3  }
0xc2: {  	[dreg:$0x1] =	wrdreg $0xFFFFFFFF  }
0xc3: {  	_ =	task.clear_ibuf [dreg:s8], $0x2FFFF;
	_ =	strace $0x9FFFFFFF  }
0xc4: {  	(tm) =	ssettm $0x7FFFFFFF  }
0xc5: {  	_ =	shalt  }
tec
execute0_lowered:
.L_overlay_start_1:
0x0: {  	(tag) =	ssettag $0x1  }
0x1: {  	s6 =	rddreg [dreg:$0x0]  }
0x2: {  	s2 =	rddreg [dreg:$0x1]  }
0x3: {  	s0 =	stileid.u32;
	s3 =	rddreg [dreg:$0x2]  }
0x4: {  	s4 =	srdreg.scid;
	s16 =	simm.s32 $0x1;
	s17 =	simm.s32 $0x2  }
0x5: {  	s18 =	simm.s32 $0x0;
	s5 =	sshll.u32 s0, $0x1;
	s7 =	sand.u32 $0x1, s4  }
0x6: {  	s4 =	simm.s32 $0x0;
	s8 =	sshll.u32 s0, $0x8;
	s5 =	sand.u32 $0xE, s5  }
0x7: {  	s13 =	sadd.s32 $0x400, s6;
	s25 =	ssub.s32 $0x2, s7;
	s5 =	sor.u32 s7, s5  }
0x8: {  	s8 =	sand.u32 $0x800, s8;
	s28 =	sshrl.u32 s25, $0x1;
	s5 =	sshll.u32 s5, $0x3  }
0x9: {  	[smem:$0x7FF] =	sst s4;
	s14 =	ssub.s32 s25, s28;
	s5 =	sor.u32 s8, s5  }
0xa: {  	_ =	strace $0x80000047;
	s14 =	smax.u32 s14, $0x1;
	s26 =	sxor.u32 $0x878, s5  }
0xb: {  	s9 =	sxor.u32 $0x28F8, s5;
	s30 =	sxor.u32 $0x4978, s5;
	s31 =	sxor.u32 $0x69F8, s5  }
0xc: {  	s10 =	sxor.u32 $0x8A78, s5;
	s11 =	sxor.u32 $0xAAF8, s5;
	s12 =	sxor.u32 $0xCB78, s5  }
0xd: {  	s15 =	sxor.u32 $0xEBF8, s5;
	s7 =	sshrl.u32 s26, $0x3;
	s29 =	sshrl.u32 s9, $0x3  }
0xe: {  	s8 =	sshrl.u32 s30, $0x3;
	s9 =	sshrl.u32 s31, $0x3;
	s10 =	sshrl.u32 s10, $0x3  }
0xf: {  	s11 =	sshrl.u32 s11, $0x3;
	s12 =	sshrl.u32 s12, $0x3;
	s15 =	sshrl.u32 s15, $0x3  }
0x10: {  	s6 =	sadd.s32 s13, s7;
	s7 =	sadd.s32 s13, s29;
	s8 =	sadd.s32 s13, s8  }
0x11: {  	s9 =	sadd.s32 s13, s9;
	s10 =	sadd.s32 s13, s10;
	s11 =	sadd.s32 s13, s11  }
0x12: {  	s12 =	sadd.s32 s13, s12;
	s13 =	sadd.s32 s13, s15;
	s15 =	simm.s32 $0x18000  }
.LBB2_1:
0x13: {  	[tilespmem:s15], [sflag:$0x1] =	stream.linear.gather [hbm4b:s2+s4], $0x80, $0x38;
	[tilespmem:$0x18080] =	vst v63  }
0x14: {  	_ = 	snop  }
0x15: {  	[tilespmem:s4], [sflag:$0x1] =	stream.linear.gather [hbm4b:s6+s4], $0x1800, $0x38;
	[tilespmem:$0x18080] =	vst v63  }
0x16: {  	s19 =	simm.s32 $0x1800  }
0x17: {  	[tilespmem:s19], [sflag:$0x1] =	stream.linear.gather [hbm4b:s7+s4], $0x1800, $0x38;
	[tilespmem:$0x18080] =	vst v63  }
0x18: {  	s20 =	simm.s32 $0x3000  }
0x19: {  	[tilespmem:s20], [sflag:$0x1] =	stream.linear.gather [hbm4b:s8+s4], $0x1800, $0x38;
	[tilespmem:$0x18080] =	vst v63  }
0x1a: {  	s21 =	simm.s32 $0x4800  }
0x1b: {  	[tilespmem:s21], [sflag:$0x1] =	stream.linear.gather [hbm4b:s9+s4], $0x1800, $0x38;
	[tilespmem:$0x18080] =	vst v63  }
0x1c: {  	s22 =	simm.s32 $0x6000  }
0x1d: {  	[tilespmem:s22], [sflag:$0x1] =	stream.linear.gather [hbm4b:s10+s4], $0x1800, $0x38;
	[tilespmem:$0x18080] =	vst v63  }
0x1e: {  	s23 =	simm.s32 $0x7800  }
0x1f: {  	[tilespmem:s23], [sflag:$0x1] =	stream.linear.gather [hbm4b:s11+s4], $0x1800, $0x38;
	[tilespmem:$0x18080] =	vst v63  }
0x20: {  	s24 =	simm.s32 $0x9000  }
0x21: {  	[tilespmem:s24], [sflag:$0x1] =	stream.linear.gather [hbm4b:s12+s4], $0x1800, $0x38;
	[tilespmem:$0x18080] =	vst v63  }
0x22: {  	s25 =	simm.s32 $0xA800  }
0x23: {  	[tilespmem:s25], [sflag:$0x1] =	stream.linear.gather [hbm4b:s13+s4], $0x1800, $0x38;
	[tilespmem:$0x18080] =	vst v63  }
0x24: {  	_ =	swait.ge [sflag:s16], $0x80  }
0x25: {  	[sflag:s16] =	ssyncset.done $0x0  }
0x26: {  	[sflag:s16] =	ssyncadd.s32 $0xFFFFFF80  }
0x27: {  	_ =	swait.ge [sflag:s16], $0x1800  }
0x28: {  	[sflag:s16] =	ssyncset.done $0x0  }
0x29: {  	[sflag:s16] =	ssyncadd.s32 $0xFFFFE800  }
0x2a: {  	_ =	swait.ge [sflag:s16], $0x1800  }
0x2b: {  	[sflag:s16] =	ssyncset.done $0x0  }
0x2c: {  	[sflag:s16] =	ssyncadd.s32 $0xFFFFE800  }
0x2d: {  	_ =	swait.ge [sflag:s16], $0x1800  }
0x2e: {  	[sflag:s16] =	ssyncset.done $0x0  }
0x2f: {  	[sflag:s16] =	ssyncadd.s32 $0xFFFFE800  }
0x30: {  	_ =	swait.ge [sflag:s16], $0x1800  }
0x31: {  	[sflag:s16] =	ssyncset.done $0x0  }
0x32: {  	[sflag:s16] =	ssyncadd.s32 $0xFFFFE800  }
0x33: {  	_ =	swait.ge [sflag:s16], $0x1800  }
0x34: {  	[sflag:s16] =	ssyncset.done $0x0  }
0x35: {  	[sflag:s16] =	ssyncadd.s32 $0xFFFFE800  }
0x36: {  	_ =	swait.ge [sflag:s16], $0x1800  }
0x37: {  	[sflag:s16] =	ssyncset.done $0x0  }
0x38: {  	[sflag:s16] =	ssyncadd.s32 $0xFFFFE800  }
0x39: {  	_ =	swait.ge [sflag:s16], $0x1800  }
0x3a: {  	[sflag:s16] =	ssyncset.done $0x0  }
0x3b: {  	[sflag:s16] =	ssyncadd.s32 $0xFFFFE800  }
0x3c: {  	_ =	swait.ge [sflag:s16], $0x1800  }
0x3d: {  	s26 =	simm.s32 $0xC200;
	[sflag:s16] =	ssyncset.done $0x0  }
0x3e: {  	s28 =	simm.s32 $0x0;
	s29 =	simm.s32 $0x0;
	[sflag:s16] =	ssyncadd.s32 $0xFFFFE800  }
.LBB2_2:
0x3f: {  	v0 =	vmov s28  }
0x40: {  	v1 =	vmov s26;
	v2 =	vmov s19  }
0x41: {  	v3 =	vmov s20;
	v4 =	vmov s21;
	v5 =	vmov s22  }
0x42: {  	s30 =	simm.s32 $0x0;
	v6 =	vmov s23;
	v7 =	vmov s24;
	v8 =	vmov s25  }
.LBB2_3:
0x43: {  	s31 =	sshra.s32 s30, $0x2  }
0x44: {  	v9 =	vld.idx.msk [tilespmem:v0+s31+$0x0 ss:$0x1], $0xffff;
	_ =	sdelay $0x7  }
0x45: {  	v9 =	vld.idx.msk [tilespmem:v9+s15+$0x0], $0xffff;
	_ =	sdelay $0x4  }
0x46: {  	[tilespmem:v1+s31+$0x180 ss:$0x1] =	vst.idx.msk $0xffff, v9  }
0x47: {  	v9 =	vld.idx.msk [tilespmem:v2+s31+$0x0 ss:$0x1], $0xffff;
	_ =	sdelay $0x7  }
0x48: {  	v9 =	vld.idx.msk [tilespmem:v9+s15+$0x0], $0xffff;
	_ =	sdelay $0x4  }
0x49: {  	[tilespmem:v1+s31+$0x100 ss:$0x1] =	vst.idx.msk $0xffff, v9  }
0x4a: {  	v9 =	vld.idx.msk [tilespmem:v3+s31+$0x0 ss:$0x1], $0xffff;
	_ =	sdelay $0x7  }
0x4b: {  	v9 =	vld.idx.msk [tilespmem:v9+s15+$0x0], $0xffff;
	_ =	sdelay $0x4  }
0x4c: {  	[tilespmem:v1+s31+$0x80 ss:$0x1] =	vst.idx.msk $0xffff, v9  }
0x4d: {  	v9 =	vld.idx.msk [tilespmem:v4+s31+$0x0 ss:$0x1], $0xffff;
	_ =	sdelay $0x7  }
0x4e: {  	v9 =	vld.idx.msk [tilespmem:v9+s15+$0x0], $0xffff;
	_ =	sdelay $0x4  }
0x4f: {  	[tilespmem:v1+s31+$0x0 ss:$0x1] =	vst.idx.msk $0xffff, v9  }
0x50: {  	v9 =	vld.idx.msk [tilespmem:v5+s31+$0x0 ss:$0x1], $0xffff;
	_ =	sdelay $0x7  }
0x51: {  	v9 =	vld.idx.msk [tilespmem:v9+s15+$0x0], $0xffff;
	_ =	sdelay $0x4  }
0x52: {  	[tilespmem:v1+s31+$0xFFFFFF80 ss:$0x1] =	vst.idx.msk $0xffff, v9  }
0x53: {  	v9 =	vld.idx.msk [tilespmem:v6+s31+$0x0 ss:$0x1], $0xffff;
	_ =	sdelay $0x7  }
0x54: {  	v9 =	vld.idx.msk [tilespmem:v9+s15+$0x0], $0xffff;
	_ =	sdelay $0x4  }
0x55: {  	[tilespmem:v1+s31+$0xFFFFFF00 ss:$0x1] =	vst.idx.msk $0xffff, v9  }
0x56: {  	v9 =	vld.idx.msk [tilespmem:v7+s31+$0x0 ss:$0x1], $0xffff;
	_ =	sdelay $0x7  }
0x57: {  	v9 =	vld.idx.msk [tilespmem:v9+s15+$0x0], $0xffff;
	_ =	sdelay $0x4  }
0x58: {  	[tilespmem:v1+s31+$0xFFFFFE80 ss:$0x1] =	vst.idx.msk $0xffff, v9  }
0x59: {  	v9 =	vld.idx.msk [tilespmem:v8+s31+$0x0 ss:$0x1], $0xffff;
	_ =	sdelay $0x7  }
0x5a: {  	p0 =	sne.s32 s30, $0x1C0;
	v9 =	vld.idx.msk [tilespmem:v9+s15+$0x0], $0xffff  }
.Ltmp0:
0x5b: {  	_ = 	snop;
	(pc) =	sbr.rel @p0 .LBB2_3-.Ltmp0, $2  }
0x5c: {  	_ =	sdelay $0x2  }
0x5d: {  	s30 =	sadd.s32 $0x40, s30;
	[tilespmem:v1+s31+$0xFFFFFE00 ss:$0x1] =	vst.idx.msk $0xffff, v9  }
0x5e: {  	p0 =	slt.u32 s29, $0x7  }
0x5f: {  	s30 =	sadd.s32 @!p0 $0xFFFFFFF9, s29  }
0x60: {  	s31 =	sand.u32 @!p0 $0xF, s30  }
0x61: {  	s0 =	sshll.u32 @!p0 s5, $0xC;
	s1 =	sshll.u32 @!p0 s31, $0x13  }
0x62: {  	s30 =	sshrl.u32 @!p0 s30, $0x4;
	s0 =	sor.u32 @!p0 s0, s1  }
0x63: {  	s1 =	sshll.u32 @!p0 s30, $0xF;
	s30 =	sshll.u32 @!p0 s30, $0xD;
	s0 =	sxor.u32 @!p0 $0x780000, s0  }
0x64: {  	s31 =	sshll.u32 @!p0 s31, $0xA;
	s1 =	sshra.s32 @!p0 s1, $0x2;
	s0 =	sadd.s32 @!p0 s30, s0  }
0x65: {  	s29 =	sadd.s32 $0x1, s29;
	s1 =	sadd.s32 @!p0 s31, s1;
	s0 =	sshrl.u32 @!p0 s0, $0x3  }
0x66: {  	s30 =	simm.s32 @!p0 $0x0;
	s1 =	sadd.s32 @!p0 $0xC000, s1;
	s0 =	sadd.s32 @!p0 s3, s0  }
0x67: {  	[hbm4b:s0+s30] =	stream.linear.scatter @!p0 [tilespmem:s1], [sflag:$0x2], $0x2000, $0x38;
	[tilespmem:$0x18080] =	vst v63  }
0x68: {  	p0 =	sne.s32 s29, $0x2F  }
.Ltmp1:
0x69: {  	_ = 	snop;
	(pc) =	sbr.rel @p0 .LBB2_2-.Ltmp1, $4  }
0x6a: {  	_ = 	snop  }
0x6b: {  	s25 =	sadd.s32 $0x80, s25;
	s24 =	sadd.s32 $0x80, s24;
	s23 =	sadd.s32 $0x80, s23  }
0x6c: {  	s22 =	sadd.s32 $0x80, s22;
	s21 =	sadd.s32 $0x80, s21;
	s20 =	sadd.s32 $0x80, s20  }
0x6d: {  	s19 =	sadd.s32 $0x80, s19;
	s28 =	sadd.s32 $0x80, s28;
	s26 =	sadd.s32 $0x400, s26  }
0x6e: {  	s0 =	simm.s32 $0x28;
	s23 =	simm.s32 $0x5000;
	s19 =	sshll.u32 s5, $0x9  }
0x6f: {  	s21 =	simm.s32 $0xA00;
	s20 =	simm.s32 $0x29;
	s22 =	sand.u32 $0xF, s0  }
.LBB2_6:
0x70: {  	p0 =	sne.s32 s20, $0x3F  }
0x71: {  	s0 =	sand.u32 $0x3FFFE000, s23;
	s1 =	sshll.u32 s22, $0x10;
	s22 =	sshll.u32 s22, $0xA  }
0x72: {  	s21 =	sand.u32 $0xFFFFFC00, s21;
	s1 =	sor.u32 s19, s1;
	s0 =	sadd.s32 s22, s0  }
.Ltmp2:
0x73: {  	s21 =	sadd.s32 s3, s21;
	s1 =	sxor.u32 $0xF0000, s1;
	(pc) =	sbr.rel @p0 .LBB2_6-.Ltmp2, $4  }
0x74: {  	s0 =	sadd.s32 $0xC000, s0;
	s1 =	sadd.s32 s1, s21  }
0x75: {  	[hbm4b:s1+s4] =	stream.linear.scatter [tilespmem:s0], [sflag:$0x2], $0x2000, $0x38;
	[tilespmem:$0x18080] =	vst v63  }
0x76: {  	s23 =	sshll.u32 s20, $0x9  }
0x77: {  	s22 =	sand.u32 $0xF, s20;
	s21 =	sshll.u32 s20, $0x6;
	s20 =	sadd.s32 $0x1, s20  }
0x78: {  	s0 =	sand.u32 $0x3FFFE000, s23;
	s1 =	sshll.u32 s22, $0x10  }
0x79: {  	s20 =	sshll.u32 s22, $0xA;
	s31 =	sand.u32 $0xFFFFFC00, s21;
	s1 =	sor.u32 s19, s1  }
0x7a: {  	s0 =	sadd.s32 s20, s0;
	s19 =	sadd.s32 s3, s31;
	s1 =	sxor.u32 $0xF0000, s1  }
0x7b: {  	s0 =	sadd.s32 $0xC000, s0;
	s1 =	sadd.s32 s1, s19  }
0x7c: {  	[hbm4b:s1+s4] =	stream.linear.scatter [tilespmem:s0], [sflag:$0x2], $0x2000, $0x38;
	[tilespmem:$0x18080] =	vst v63  }
0x7d: {  	_ =	swait.ge [sflag:s17], $0x2000  }
0x7e: {  	s19 =	simm.s32 $0x3F;
	[sflag:s17] =	ssyncset.done $0x0  }
.LBB2_8:
0x7f: {  	p0 =	sne.s32 s19, $0x1;
	s19 =	sadd.s32 $0xFFFFFFFF, s19;
	[sflag:s17] =	ssyncadd.s32 $0xFFFFE000  }
.Ltmp3:
0x80: {  	(pc) =	sbr.rel @p0 .LBB2_8-.Ltmp3, $3  }
0x81: {  	_ =	sdelay $0x1  }
0x82: {  	_ =	swait.ge [sflag:s17], $0x2000  }
0x83: {  	[sflag:s17] =	ssyncset.done $0x0  }
0x84: {  	s18 =	sadd.s32 $0x1, s18  }
0x85: {  	p0 =	sne.s32 s18, s14  }
.Ltmp4:
0x86: {  	_ = 	snop;
	(pc) =	sbr.rel @p0 .LBB2_1-.Ltmp4, $2  }
0x87: {  	_ =	sdelay $0x2  }
0x88: {  	[sflag:s17] =	ssyncadd.s32 $0xFFFFE000  }
0x89: {  	_ =	sfence.sel $0x180000  }
0x8a: {  	[bflag:$0x0] =	sbarrier.arrive $0xFFFF  }
0x8b: {  	_ =	strace $0x90000047  }
0x8c: {  	s0 =	stileid.u32;
	[bflag:$0x2] =	sbarrier.arrive $0xFFFF  }
0x8d: {  	p0 =	sne.s32 s0, $0x0;
	s0 =	rddreg [dreg:$0x3]  }
0x8e: {  	s0 =	sadd.s32 @!p0 $0x100000, s0  }
0x8f: {  	[sflag:s0] =	ssyncadd.tile.s32 @!p0 $0x1;
	_ =	shalt  }
.Lfunc_end2:
_tile_overlayer_lowered:
.L_overlay_start_2:
0x90: {  	(tag) =	ssettag $0x2  }
0x91: {  	s0 =	rddreg [dreg:$0x0];
	s2 =	stileid.u32  }
0x92: {  	s1 =	rddreg [dreg:$0x1];
	p0 =	sne.s32 s2, $0x0  }
0x93: {  	s3 =	rddreg [dreg:$0x2];
	[bflag:$0x3] =	sbarrier.arrive $0xFFFF;
	s2 =	simm.s32 @!p0 $0x1C03  }
0x94: {  	[timem:s3], [sflag:s2] =	dma.local @!p0 [hbm:s0], s1  }
0x95: {  	s0 =	simm.s32 @!p0 $0x3  }
0x96: {  	_ =	swait.ge @!p0 [sflag:s0], s1  }
0x97: {  	s1 =	ssub.s32 @!p0 $0x0, s1;
	[sflag:s0] =	ssyncset.done @!p0 $0x0  }
0x98: {  	[sflag:s0] =	ssyncadd.s32 @!p0 s1  }
0x99: {  	[bflag:$0x3] =	sbarrier.arrive $0xFFFF  }
0x9a: {  	_ =	shalt  }

</sc_bundles>
